<compile_context>
chip_gen: v7x
topology: tpu7x:2x2x1
jax: 0.10.2.dev20260603
libtpu: 0.0.44.dev20260713+nightly
codegen_flags: <defaults>
</compile_context>

<pallas_src>
import functools

import jax
import jax.numpy as jnp
from jax import lax
from jax.experimental import pallas as pl
from jax.experimental.pallas import tpu as pltpu
from jax.experimental.pallas import tpu_sc as plsc

B, D, M = 256, 256, 100000
TEMP = 0.05
EPS = 0.1
MARGIN = 0.1
MB = 4000
NBLK = M // MB
NEG = -1e9


def _sc_gather(features, targets):
    info = plsc.get_sparse_core_info()
    nc, ns = info.num_cores, info.num_subcores
    bpw = B // (nc * ns)
    mesh = plsc.VectorSubcoreMesh(core_axis_name="c", subcore_axis_name="s")

    @functools.partial(
        pl.kernel, mesh=mesh,
        out_type=jax.ShapeDtypeStruct((B, D), jnp.float32),
        scratch_types=[
            pltpu.VMEM((bpw,), jnp.int32),
            pltpu.VMEM((bpw, D), jnp.float32),
            pltpu.SemaphoreType.DMA,
        ],
    )
    def gk(table_hbm, idx_hbm, out_hbm, idx_v, rows_v, sem):
        wid = lax.axis_index("s") * nc + lax.axis_index("c")
        base = wid * bpw
        pltpu.sync_copy(idx_hbm.at[pl.ds(base, bpw)], idx_v)
        pltpu.async_copy(table_hbm.at[idx_v], rows_v, sem).wait()
        pltpu.sync_copy(rows_v, out_hbm.at[pl.ds(base, bpw)])

    return gk(features, targets)


def _body(tcol_ref, x_in_ref, feat_ref, sf_ref, lab_ref, out_cep_ref,
          out_l2_ref, s_x, s_se, s_fs, s_mp, s_mn, s_pl, s_hp):
    p = pl.program_id(0)
    m = pl.program_id(1)

    @pl.when((p == 0) & (m == 0))
    def _init():
        x = x_in_ref[...]
        xn = x * lax.rsqrt(jnp.sum(x * x, axis=1, keepdims=True))
        s_x[...] = xn.astype(jnp.bfloat16)
        s_se[...] = jnp.zeros((B, 1), jnp.float32)
        s_fs[...] = jnp.zeros((1, D), jnp.float32)
        s_mp[...] = jnp.full((B, 1), NEG, jnp.float32)
        s_mn[...] = jnp.full((B, 1), NEG, jnp.float32)

    x = s_x[...]
    dn = (((1,), (1,)), ((), ()))
    sim = lax.dot_general(x, sf_ref[...].astype(jnp.bfloat16), dn,
                          preferred_element_type=jnp.float32)
    lab = lab_ref[0]
    tcol = tcol_ref[...]
    posm = lab == tcol

    @pl.when(p == 0)
    def _ph0():
        f = feat_ref[...].astype(jnp.bfloat16)
        r = lax.dot_general(x, f, dn, preferred_element_type=jnp.float32)
        C = 28.853900817779268
        s_se[...] += jnp.sum(jnp.exp2(r * C), axis=1, keepdims=True)
        ones = jnp.ones((1, MB), jnp.bfloat16)
        s_fs[...] += lax.dot_general(ones, f, (((1,), (0,)), ((), ())),
                                     preferred_element_type=jnp.float32)
        s_mp[...] = jnp.maximum(
            s_mp[...], jnp.max(jnp.where(posm, sim, NEG), axis=1, keepdims=True))
        s_mn[...] = jnp.maximum(
            s_mn[...], jnp.max(jnp.where(posm, NEG, sim), axis=1, keepdims=True))

    @pl.when((p == 1) & (m == 0))
    def _mid():
        s_hp[...] = jnp.where(s_mp[...] > -1e8, 1.0, 0.0)
        s_mn[...] = s_mn[...] + MARGIN
        s_mp[...] = jnp.maximum(0.6, s_mp[...]) - MARGIN
        s_pl[...] = jnp.zeros((B, 1), jnp.float32)

    @pl.when(p == 1)
    def _ph1():
        val = jnp.where(posm & (sim < s_mn[...]), 1.0 - sim,
                        jnp.where(posm | (sim <= s_mp[...]), 0.0, sim))
        s_pl[...] += jnp.sum(val, axis=1, keepdims=True)

    @pl.when((p == 1) & (m == NBLK - 1))
    def _fin():
        lse = jnp.log(s_se[...])
        xi = x_in_ref[...]
        xn = xi * lax.rsqrt(jnp.sum(xi * xi, axis=1, keepdims=True))
        so = jnp.sum(xn * s_fs[...], axis=1, keepdims=True) * (1.0 / TEMP)
        out_cep_ref[...] = ((1.0 - EPS) * lse
                            + (EPS / M) * (M * lse - so))
        li = jnp.where(s_hp[...] > 0, s_pl[...], 0.0)
        out_l2_ref[...] = jnp.sum(li, keepdims=True).reshape(1, 1) / B


def _combine(x_in_ref, g_ref, cep_ref, out_ce_ref):
    xi = x_in_ref[...]
    xn = xi * lax.rsqrt(jnp.sum(xi * xi, axis=1, keepdims=True))
    tl = jnp.sum(xn * g_ref[...], axis=1, keepdims=True) * (1.0 / TEMP)
    ce = cep_ref[...] - (1.0 - EPS) * tl
    out_ce_ref[...] = jnp.sum(ce, keepdims=True).reshape(1, 1) / B


@jax.jit
def _run(inputs, targets, features, sample_features, sample_labels):
    tcol = targets.reshape(B, 1)
    lab3 = sample_labels.reshape(NBLK, 1, MB)
    g = _sc_gather(features, targets)
    f32 = jnp.float32
    out_cep, out_l2 = pl.pallas_call(
        _body,
        grid=(2, NBLK),
        in_specs=[
            pl.BlockSpec((B, 1), lambda p, m: (0, 0)),
            pl.BlockSpec((B, D), lambda p, m: (0, 0)),
            pl.BlockSpec((MB, D), lambda p, m: (m * (1 - p), 0)),
            pl.BlockSpec((MB, D), lambda p, m: (m, 0)),
            pl.BlockSpec((1, 1, MB), lambda p, m: (m, 0, 0)),
        ],
        out_specs=[
            pl.BlockSpec((B, 1), lambda p, m: (0, 0)),
            pl.BlockSpec((1, 1), lambda p, m: (0, 0)),
        ],
        out_shape=[
            jax.ShapeDtypeStruct((B, 1), f32),
            jax.ShapeDtypeStruct((1, 1), f32),
        ],
        scratch_shapes=[
            pltpu.VMEM((B, D), jnp.bfloat16),
            pltpu.VMEM((B, 1), f32), pltpu.VMEM((1, D), f32),
            pltpu.VMEM((B, 1), f32), pltpu.VMEM((B, 1), f32),
            pltpu.VMEM((B, 1), f32), pltpu.VMEM((B, 1), f32),
        ],
    )(tcol, inputs, features, sample_features, lab3)
    out_ce = pl.pallas_call(
        _combine,
        out_shape=jax.ShapeDtypeStruct((1, 1), f32),
    )(inputs, g, out_cep)
    return out_ce[0, 0], out_l2[0, 0]


def kernel(inputs, targets, features, sample_features, sample_labels):
    return _run(inputs, targets, features, sample_features, sample_labels)

# --- scband reference (transcript-rebuilt; emitter-appended) ---
"""Pipeline reference for scband-oimloss-tri-43001212567993 (READ-ONLY COPY).

The authoritative reference and input builder live on the scoring server;
editing this copy changes nothing except your own understanding.
"""

import jax, jax.numpy as jnp
import numpy as np

B, D, M = 256, 256, 100000
TEMP = 0.05
EPS = 0.1
MARGIN = 0.1


def setup_inputs(seed: int = 0) -> dict:
    key = jax.random.key(seed)
    k1, k2, k3, k4, k5 = jax.random.split(key, 5)
    inputs = jax.random.normal(k1, (B, D), dtype=jnp.float32)
    targets = jax.random.randint(k2, (B,), 0, M, dtype=jnp.int32)
    feats = jax.random.normal(k3, (M, D), dtype=jnp.float32)
    features = feats / jnp.linalg.norm(feats, axis=1, keepdims=True)
    sf = jax.random.normal(k4, (M, D), dtype=jnp.float32)
    sample_features = sf / jnp.linalg.norm(sf, axis=1, keepdims=True)
    sample_labels = jax.random.randint(k5, (M,), 0, M, dtype=jnp.int32)
    return {"inputs": inputs, "targets": targets, "features": features,
            "sample_features": sample_features, "sample_labels": sample_labels}


def _forward(inputs, targets, features, sample_features, sample_labels):
    # F.normalize(inputs, dim=1)
    x = inputs / jnp.linalg.norm(inputs, axis=1, keepdims=True)
    # OIM forward: inputs.mm(features.t()) ; features is a buffer (constant)
    outputs = (x @ features.T) / TEMP
    # CrossEntropyLabelSmooth(num_samples)
    logp = jax.nn.log_softmax(outputs, axis=1)
    onehot = jax.nn.one_hot(targets, M, dtype=jnp.float32)
    t = (1.0 - EPS) * onehot + EPS / M
    loss = jnp.sum(jnp.mean(-t * logp, axis=0))
    # TripletLossOim(x, targets, sample_features, sample_labels), vectorized
    sim = x @ sample_features.T  # [B, M]
    pos_mask = targets[:, None] == sample_labels[None, :]
    neg_mask = jnp.logical_not(pos_mask)
    NEG = jnp.float32(-1e9)
    max_neg = jnp.max(jnp.where(neg_mask, sim, NEG), axis=1)  # neg_pair_[-1]
    max_pos = jnp.max(jnp.where(pos_mask, sim, NEG), axis=1)  # pos_pair_[-1]
    has_pos = jnp.any(pos_mask, axis=1)
    pos_sel = pos_mask & (sim < (max_neg + MARGIN)[:, None])
    pos_loss = jnp.sum(jnp.where(pos_sel, 1.0 - sim, 0.0), axis=1)
    thresh = jnp.maximum(jnp.float32(0.6), max_pos) - MARGIN
    neg_sel = neg_mask & (sim > thresh[:, None])
    neg_loss = jnp.sum(jnp.where(neg_sel, sim, 0.0), axis=1)
    loss_i = jnp.where(has_pos, pos_loss + neg_loss, 0.0)
    loss2 = jnp.sum(loss_i) / B
    return (loss, loss2)


def reference(inputs, targets, features, sample_features, sample_labels):
    return _forward(inputs, targets, features, sample_features, sample_labels)

if __name__ == "__main__":
    import jax
    _d = setup_inputs()
    print(jax.jit(kernel)(*tuple(_d.values())))

</pallas_src>

<mosaic_0001>
#map = affine_map<(d0, d1) -> (0, 0)>
#map1 = affine_map<(d0, d1) -> (0)>
module attributes {stable_mosaic.version = 14 : i64} {
  func.func @gk(%arg0: i32, %arg1: i32, %arg2: memref<100000x256xf32, #tpu.memory_space<hbm>>, %arg3: memref<256xi32, #tpu.memory_space<hbm>>, %arg4: memref<256x256xf32, #tpu.memory_space<hbm>>, %arg5: memref<8xi32, #tpu.memory_space<vmem>>, %arg6: memref<8x256xf32, #tpu.memory_space<vmem>>, %arg7: memref<!tpu.dma_semaphore, #tpu.memory_space<semaphore_mem>>) attributes {dimension_semantics = [#tpu.dimension_semantics<core_parallel>, #tpu.dimension_semantics<subcore_parallel>], iteration_bounds = array<i64: 2, 16>, scalar_prefetch = 0 : i64, scratch_operands = 3 : i64, tpu.core_type = #tpu.core_type<sc_vector_subcore>, window_params = [{transform_indices = #map}, {transform_indices = #map1}, {transform_indices = #map}]} {
    %mul3A = arith.constant 2 : i32
    %mul3A_0 = arith.muli %arg1, %mul3A : i32
    %add3A = arith.addi %mul3A_0, %arg0 : i32
    %mul3A_1 = arith.constant 8 : i32
    %mul3A_2 = arith.muli %add3A, %mul3A_1 : i32
    "tpu.region"() ({
      %run_scoped3A = tpu.sem_alloc : memref<!tpu.dma_semaphore, #tpu.memory_space<semaphore_mem>>
      %dma_start3A_7 = tpu.memref_slice %arg3[%mul3A_2] : memref<256xi32, #tpu.memory_space<hbm>> -> memref<8xi32, #tpu.memory_space<hbm>>
      %dma_start3A_8 = tpu.memref_slice %arg3[%mul3A_2] : memref<256xi32, #tpu.memory_space<hbm>> -> memref<8xi32, #tpu.memory_space<hbm>>
      tpu.enqueue_dma source(%dma_start3A_8 : memref<8xi32, #tpu.memory_space<hbm>>) target(%arg5 : memref<8xi32, #tpu.memory_space<vmem>>) target_semaphore(%run_scoped3A : memref<!tpu.dma_semaphore, #tpu.memory_space<semaphore_mem>>)
      %dma_wait3A_9 = tpu.memref_slice %arg3[%mul3A_2] : memref<256xi32, #tpu.memory_space<hbm>> -> memref<8xi32, #tpu.memory_space<hbm>>
      %dma_wait3A_10 = tpu.memref_slice %arg3[%mul3A_2] : memref<256xi32, #tpu.memory_space<hbm>> -> memref<8xi32, #tpu.memory_space<hbm>>
      tpu.wait_dma2 semaphore(%run_scoped3A : memref<!tpu.dma_semaphore, #tpu.memory_space<semaphore_mem>>) src(%dma_wait3A_10 : memref<8xi32, #tpu.memory_space<hbm>>) dst(%arg5 : memref<8xi32, #tpu.memory_space<vmem>>)
      tpu.yield
    }) : () -> ()
    %dma_start3A = arith.constant 0 : i32
    %dma_start3A_3 = arith.constant 0 : i32
    %dma_start3A_4 = tpu.memref_slice %arg2[%dma_start3A, %dma_start3A_3] : memref<100000x256xf32, #tpu.memory_space<hbm>> -> memref<100000x256xf32, #tpu.memory_space<hbm>>
    tpu.enqueue_indirect_dma source(%dma_start3A_4 : memref<100000x256xf32, #tpu.memory_space<hbm>>) target(%arg6 : memref<8x256xf32, #tpu.memory_space<vmem>>) offsets(%arg5 : memref<8xi32, #tpu.memory_space<vmem>>) semaphore(%arg7 : memref<!tpu.dma_semaphore, #tpu.memory_space<semaphore_mem>>)
    %dma_wait3A = arith.constant 0 : i32
    %dma_wait3A_5 = arith.constant 0 : i32
    %dma_wait3A_6 = tpu.memref_slice %arg2[%dma_wait3A, %dma_wait3A_5] : memref<100000x256xf32, #tpu.memory_space<hbm>> -> memref<100000x256xf32, #tpu.memory_space<hbm>>
    tpu.wait_indirect_dma semaphore(%arg7 : memref<!tpu.dma_semaphore, #tpu.memory_space<semaphore_mem>>) src(%dma_wait3A_6 : memref<100000x256xf32, #tpu.memory_space<hbm>>) dst(%arg6 : memref<8x256xf32, #tpu.memory_space<vmem>>)
    "tpu.region"() ({
      %run_scoped3A = tpu.sem_alloc : memref<!tpu.dma_semaphore, #tpu.memory_space<semaphore_mem>>
      %dma_start3A_7 = arith.constant 0 : i32
      %dma_start3A_8 = tpu.memref_slice %arg4[%mul3A_2, %dma_start3A_7] : memref<256x256xf32, #tpu.memory_space<hbm>> -> memref<8x256xf32, #tpu.memory_space<hbm>>
      %dma_start3A_9 = arith.constant 0 : i32
      %dma_start3A_10 = tpu.memref_slice %arg4[%mul3A_2, %dma_start3A_9] : memref<256x256xf32, #tpu.memory_space<hbm>> -> memref<8x256xf32, #tpu.memory_space<hbm>>
      tpu.enqueue_dma source(%arg6 : memref<8x256xf32, #tpu.memory_space<vmem>>) target(%dma_start3A_10 : memref<8x256xf32, #tpu.memory_space<hbm>>) target_semaphore(%run_scoped3A : memref<!tpu.dma_semaphore, #tpu.memory_space<semaphore_mem>>)
      %dma_wait3A_11 = arith.constant 0 : i32
      %dma_wait3A_12 = tpu.memref_slice %arg4[%mul3A_2, %dma_wait3A_11] : memref<256x256xf32, #tpu.memory_space<hbm>> -> memref<8x256xf32, #tpu.memory_space<hbm>>
      %dma_wait3A_13 = arith.constant 0 : i32
      %dma_wait3A_14 = tpu.memref_slice %arg4[%mul3A_2, %dma_wait3A_13] : memref<256x256xf32, #tpu.memory_space<hbm>> -> memref<8x256xf32, #tpu.memory_space<hbm>>
      tpu.wait_dma2 semaphore(%run_scoped3A : memref<!tpu.dma_semaphore, #tpu.memory_space<semaphore_mem>>) src(%arg6 : memref<8x256xf32, #tpu.memory_space<vmem>>) dst(%dma_wait3A_14 : memref<8x256xf32, #tpu.memory_space<hbm>>)
      tpu.yield
    }) : () -> ()
    return
  }
}

module attributes {stable_mosaic.version = 14 : i64} {
  func.func @_combine(%arg0: memref<256x256xf32, #tpu.memory_space<vmem>>, %arg1: memref<256x256xf32, #tpu.memory_space<vmem>>, %arg2: memref<256x1xf32, #tpu.memory_space<vmem>>, %arg3: memref<1x1xf32, #tpu.memory_space<vmem>>) attributes {dimension_semantics = [], scalar_prefetch = 0 : i64, scratch_operands = 0 : i64, tpu.core_type = #tpu.core_type<tc>} {
    %get3A = arith.constant 0 : index
    %get3A_0 = arith.constant 0 : index
    %get3A_1 = vector.load %arg0[%get3A, %get3A_0] : memref<256x256xf32, #tpu.memory_space<vmem>>, vector<256x256xf32>
    %mul3A = arith.mulf %get3A_1, %get3A_1 : vector<256x256xf32>
    %reduce_sum3A = arith.constant dense<0.000000e+00> : vector<256xf32>
    %reduce_sum3A_2 = vector.multi_reduction <add>, %mul3A, %reduce_sum3A [1] : vector<256x256xf32> to vector<256xf32>
    %broadcast_in_dim3A = vector.shape_cast %reduce_sum3A_2 : vector<256xf32> to vector<256x1xf32>
    %rsqrt3A = math.rsqrt %broadcast_in_dim3A : vector<256x1xf32>
    %mul3A_3 = vector.broadcast %rsqrt3A : vector<256x1xf32> to vector<256x256xf32>
    %mul3A_4 = arith.mulf %get3A_1, %mul3A_3 : vector<256x256xf32>
    %get3A_5 = arith.constant 0 : index
    %get3A_6 = arith.constant 0 : index
    %get3A_7 = vector.load %arg1[%get3A_5, %get3A_6] : memref<256x256xf32, #tpu.memory_space<vmem>>, vector<256x256xf32>
    %mul3A_8 = arith.mulf %mul3A_4, %get3A_7 : vector<256x256xf32>
    %reduce_sum3A_9 = arith.constant dense<0.000000e+00> : vector<256xf32>
    %reduce_sum3A_10 = vector.multi_reduction <add>, %mul3A_8, %reduce_sum3A_9 [1] : vector<256x256xf32> to vector<256xf32>
    %broadcast_in_dim3A_11 = vector.shape_cast %reduce_sum3A_10 : vector<256xf32> to vector<256x1xf32>
    %mul3A_12 = arith.constant 2.000000e+01 : f32
    %mul3A_13 = vector.broadcast %mul3A_12 : f32 to vector<256x1xf32>
    %mul3A_14 = arith.mulf %broadcast_in_dim3A_11, %mul3A_13 : vector<256x1xf32>
    %get3A_15 = arith.constant 0 : index
    %get3A_16 = arith.constant 0 : index
    %get3A_17 = vector.load %arg2[%get3A_15, %get3A_16] : memref<256x1xf32, #tpu.memory_space<vmem>>, vector<256x1xf32>
    %mul3A_18 = arith.constant 0.899999976 : f32
    %mul3A_19 = vector.broadcast %mul3A_18 : f32 to vector<256x1xf32>
    %mul3A_20 = arith.mulf %mul3A_19, %mul3A_14 : vector<256x1xf32>
    %sub3A = arith.subf %get3A_17, %mul3A_20 : vector<256x1xf32>
    %reduce_sum3A_21 = vector.shape_cast %sub3A : vector<256x1xf32> to vector<1x256x1xf32>
    %reduce_sum3A_22 = arith.constant dense<0.000000e+00> : vector<1xf32>
    %reduce_sum3A_23 = vector.multi_reduction <add>, %reduce_sum3A_21, %reduce_sum3A_22 [1, 2] : vector<1x256x1xf32> to vector<1xf32>
    %reduce_sum3A_24 = vector.shape_cast %reduce_sum3A_23 : vector<1xf32> to vector<1x1x1xf32>
    %reduce_sum3A_25 = vector.extract %reduce_sum3A_24[0, 0, 0] : f32 from vector<1x1x1xf32>
    %broadcast_in_dim3A_26 = vector.broadcast %reduce_sum3A_25 : f32 to vector<1x1xf32>
    %div3A = arith.constant 2.560000e+02 : f32
    %div3A_27 = vector.broadcast %div3A : f32 to vector<1x1xf32>
    %div3A_28 = arith.divf %broadcast_in_dim3A_26, %div3A_27 : vector<1x1xf32>
    %swap3A = arith.constant 0 : index
    %swap3A_29 = arith.constant 0 : index
    %swap3A_30 = vector.load %arg3[%swap3A, %swap3A_29] : memref<1x1xf32, #tpu.memory_space<vmem>>, vector<1x1xf32>
    tpu.vector_store %arg3[%swap3A, %swap3A_29], %div3A_28 {strides = array<i32>} : memref<1x1xf32, #tpu.memory_space<vmem>>, vector<1x1xf32>,
    return
  }
}

module attributes {stable_mosaic.version = 14 : i64} {
  func.func @_body(%arg0: i32, %arg1: i32, %arg2: memref<256x1xi32, #tpu.memory_space<vmem>>, %arg3: memref<256x256xf32, #tpu.memory_space<vmem>>, %arg4: memref<4000x256xf32, #tpu.memory_space<vmem>>, %arg5: memref<4000x256xf32, #tpu.memory_space<vmem>>, %arg6: memref<1x1x4000xi32, #tpu.memory_space<vmem>>, %arg7: memref<256x1xf32, #tpu.memory_space<vmem>>, %arg8: memref<1x1xf32, #tpu.memory_space<vmem>>, %arg9: memref<256x256xbf16, #tpu.memory_space<vmem>>, %arg10: memref<256x1xf32, #tpu.memory_space<vmem>>, %arg11: memref<1x256xf32, #tpu.memory_space<vmem>>, %arg12: memref<256x1xf32, #tpu.memory_space<vmem>>, %arg13: memref<256x1xf32, #tpu.memory_space<vmem>>, %arg14: memref<256x1xf32, #tpu.memory_space<vmem>>, %arg15: memref<256x1xf32, #tpu.memory_space<vmem>>) attributes {dimension_semantics = [#tpu.dimension_semantics<arbitrary>, #tpu.dimension_semantics<arbitrary>], iteration_bounds = array<i64: 2, 25>, scalar_prefetch = 0 : i64, scratch_operands = 7 : i64, tpu.core_type = #tpu.core_type<tc>, window_params = [{pipeline_mode = #tpu.pipeline_mode<synchronous>, transform_indices = @transform_0, window_bounds = array<i64: 256, 1>}, {pipeline_mode = #tpu.pipeline_mode<synchronous>, transform_indices = @transform_1, window_bounds = array<i64: 256, 256>}, {transform_indices = @transform_2, window_bounds = array<i64: 4000, 256>}, {transform_indices = @transform_3, window_bounds = array<i64: 4000, 256>}, {transform_indices = @transform_4, window_bounds = array<i64: 1, 1, 4000>}, {pipeline_mode = #tpu.pipeline_mode<synchronous>, transform_indices = @transform_5, window_bounds = array<i64: 256, 1>}, {pipeline_mode = #tpu.pipeline_mode<synchronous>, transform_indices = @transform_6, window_bounds = array<i64: 1, 1>}]} {
    %eq3A = arith.constant 0 : i32
    %eq3A_0 = arith.cmpi eq, %arg0, %eq3A : i32
    %eq3A_1 = arith.constant 0 : i32
    %eq3A_2 = arith.cmpi eq, %arg1, %eq3A_1 : i32
    %and3A = arith.andi %eq3A_0, %eq3A_2 : i1
    %convert_element_type3A = arith.extui %and3A : i1 to i32
    %cond3A = arith.constant 0 : i32
    %cond3A_3 = arith.cmpi ne, %convert_element_type3A, %cond3A : i32
    scf.if %cond3A_3 {
      %get3A_48 = arith.constant 0 : index
      %get3A_49 = arith.constant 0 : index
      %get3A_50 = vector.load %arg3[%get3A_48, %get3A_49] : memref<256x256xf32, #tpu.memory_space<vmem>>, vector<256x256xf32>
      %mul3A = arith.mulf %get3A_50, %get3A_50 : vector<256x256xf32>
      %reduce_sum3A = arith.constant dense<0.000000e+00> : vector<256xf32>
      %reduce_sum3A_51 = vector.multi_reduction <add>, %mul3A, %reduce_sum3A [1] : vector<256x256xf32> to vector<256xf32>
      %broadcast_in_dim3A = vector.shape_cast %reduce_sum3A_51 : vector<256xf32> to vector<256x1xf32>
      %rsqrt3A = math.rsqrt %broadcast_in_dim3A : vector<256x1xf32>
      %mul3A_52 = vector.broadcast %rsqrt3A : vector<256x1xf32> to vector<256x256xf32>
      %mul3A_53 = arith.mulf %get3A_50, %mul3A_52 : vector<256x256xf32>
      %convert_element_type3A_54 = arith.truncf %mul3A_53 : vector<256x256xf32> to vector<256x256xbf16>
      %swap3A = arith.constant 0 : index
      %swap3A_55 = arith.constant 0 : index
      %swap3A_56 = vector.load %arg9[%swap3A, %swap3A_55] : memref<256x256xbf16, #tpu.memory_space<vmem>>, vector<256x256xbf16>
      tpu.vector_store %arg9[%swap3A, %swap3A_55], %convert_element_type3A_54 {strides = array<i32>} : memref<256x256xbf16, #tpu.memory_space<vmem>>, vector<256x256xbf16>,
      %broadcast_in_dim3A_57 = arith.constant 0.000000e+00 : f32
      %broadcast_in_dim3A_58 = vector.broadcast %broadcast_in_dim3A_57 : f32 to vector<256x1xf32>
      %swap3A_59 = arith.constant 0 : index
      %swap3A_60 = arith.constant 0 : index
      %swap3A_61 = vector.load %arg10[%swap3A_59, %swap3A_60] : memref<256x1xf32, #tpu.memory_space<vmem>>, vector<256x1xf32>
      tpu.vector_store %arg10[%swap3A_59, %swap3A_60], %broadcast_in_dim3A_58 {strides = array<i32>} : memref<256x1xf32, #tpu.memory_space<vmem>>, vector<256x1xf32>,
      %broadcast_in_dim3A_62 = arith.constant 0.000000e+00 : f32
      %broadcast_in_dim3A_63 = vector.broadcast %broadcast_in_dim3A_62 : f32 to vector<1x256xf32>
      %swap3A_64 = arith.constant 0 : index
      %swap3A_65 = arith.constant 0 : index
      %swap3A_66 = vector.load %arg11[%swap3A_64, %swap3A_65] : memref<1x256xf32, #tpu.memory_space<vmem>>, vector<1x256xf32>
      tpu.vector_store %arg11[%swap3A_64, %swap3A_65], %broadcast_in_dim3A_63 {strides = array<i32>} : memref<1x256xf32, #tpu.memory_space<vmem>>, vector<1x256xf32>,
      %broadcast_in_dim3A_67 = arith.constant -1.000000e+09 : f32
      %broadcast_in_dim3A_68 = vector.broadcast %broadcast_in_dim3A_67 : f32 to vector<256x1xf32>
      %swap3A_69 = arith.constant 0 : index
      %swap3A_70 = arith.constant 0 : index
      %swap3A_71 = vector.load %arg12[%swap3A_69, %swap3A_70] : memref<256x1xf32, #tpu.memory_space<vmem>>, vector<256x1xf32>
      tpu.vector_store %arg12[%swap3A_69, %swap3A_70], %broadcast_in_dim3A_68 {strides = array<i32>} : memref<256x1xf32, #tpu.memory_space<vmem>>, vector<256x1xf32>,
      %broadcast_in_dim3A_72 = arith.constant -1.000000e+09 : f32
      %broadcast_in_dim3A_73 = vector.broadcast %broadcast_in_dim3A_72 : f32 to vector<256x1xf32>
      %swap3A_74 = arith.constant 0 : index
      %swap3A_75 = arith.constant 0 : index
      %swap3A_76 = vector.load %arg13[%swap3A_74, %swap3A_75] : memref<256x1xf32, #tpu.memory_space<vmem>>, vector<256x1xf32>
      tpu.vector_store %arg13[%swap3A_74, %swap3A_75], %broadcast_in_dim3A_73 {strides = array<i32>} : memref<256x1xf32, #tpu.memory_space<vmem>>, vector<256x1xf32>,
    } else {
    }
    %get3A = arith.constant 0 : index
    %get3A_4 = arith.constant 0 : index
    %get3A_5 = vector.load %arg9[%get3A, %get3A_4] : memref<256x256xbf16, #tpu.memory_space<vmem>>, vector<256x256xbf16>
    %get3A_6 = arith.constant 0 : index
    %get3A_7 = arith.constant 0 : index
    %get3A_8 = vector.load %arg5[%get3A_6, %get3A_7] : memref<4000x256xf32, #tpu.memory_space<vmem>>, vector<4000x256xf32>
    %convert_element_type3A_9 = arith.truncf %get3A_8 : vector<4000x256xf32> to vector<4000x256xbf16>
    %dot_general3A = arith.constant dense<0.000000e+00> : vector<256x4000xf32>
    %dot_general3A_10 = tpu.matmul %get3A_5, %convert_element_type3A_9, %dot_general3A {dimension_numbers = #tpu.dot_dimension_numbers<[1], [1], [0], [0], [0, 0, 1, 0], [], []>, transpose_lhs_hint = false} : vector<256x256xbf16>, vector<4000x256xbf16>, vector<256x4000xf32> -> vector<256x4000xf32>
    %get3A_11 = arith.constant 0 : index
    %get3A_12 = arith.constant 0 : index
    %get3A_13 = arith.constant 0 : index
    %get3A_14 = vector.load %arg6[%get3A_11, %get3A_12, %get3A_13] : memref<1x1x4000xi32, #tpu.memory_space<vmem>>, vector<1x1x4000xi32>
    %get3A_15 = vector.shape_cast %get3A_14 : vector<1x1x4000xi32> to vector<1x4000xi32>
    %get3A_16 = arith.constant 0 : index
    %get3A_17 = arith.constant 0 : index
    %get3A_18 = vector.load %arg2[%get3A_16, %get3A_17] : memref<256x1xi32, #tpu.memory_space<vmem>>, vector<256x1xi32>
    %eq3A_19 = vector.broadcast %get3A_15 : vector<1x4000xi32> to vector<256x4000xi32>
    %eq3A_20 = vector.broadcast %get3A_18 : vector<256x1xi32> to vector<256x4000xi32>
    %eq3A_21 = arith.cmpi eq, %eq3A_19, %eq3A_20 : vector<256x4000xi32>
    %eq3A_22 = arith.constant 0 : i32
    %eq3A_23 = arith.cmpi eq, %arg0, %eq3A_22 : i32
    %convert_element_type3A_24 = arith.extui %eq3A_23 : i1 to i32
    %cond3A_25 = arith.constant 0 : i32
    %cond3A_26 = arith.cmpi ne, %convert_element_type3A_24, %cond3A_25 : i32
    scf.if %cond3A_26 {
      %get3A_48 = arith.constant 0 : index
      %get3A_49 = arith.constant 0 : index
      %get3A_50 = vector.load %arg4[%get3A_48, %get3A_49] : memref<4000x256xf32, #tpu.memory_space<vmem>>, vector<4000x256xf32>
      %convert_element_type3A_51 = arith.truncf %get3A_50 : vector<4000x256xf32> to vector<4000x256xbf16>
      %dot_general3A_52 = arith.constant dense<0.000000e+00> : vector<256x4000xf32>
      %dot_general3A_53 = tpu.matmul %get3A_5, %convert_element_type3A_51, %dot_general3A_52 {dimension_numbers = #tpu.dot_dimension_numbers<[1], [1], [0], [0], [0, 0, 1, 0], [], []>, transpose_lhs_hint = false} : vector<256x256xbf16>, vector<4000x256xbf16>, vector<256x4000xf32> -> vector<256x4000xf32>
      %get3A_54 = arith.constant 0 : index
      %get3A_55 = arith.constant 0 : index
      %get3A_56 = vector.load %arg10[%get3A_54, %get3A_55] : memref<256x1xf32, #tpu.memory_space<vmem>>, vector<256x1xf32>
      %mul3A = arith.constant 2.885390e+01 : f32
      %mul3A_57 = vector.broadcast %mul3A : f32 to vector<256x4000xf32>
      %mul3A_58 = arith.mulf %dot_general3A_53, %mul3A_57 : vector<256x4000xf32>
      %exp23A = math.exp2 %mul3A_58 : vector<256x4000xf32>
      %reduce_sum3A = arith.constant dense<0.000000e+00> : vector<256xf32>
      %reduce_sum3A_59 = vector.multi_reduction <add>, %exp23A, %reduce_sum3A [1] : vector<256x4000xf32> to vector<256xf32>
      %broadcast_in_dim3A = vector.shape_cast %reduce_sum3A_59 : vector<256xf32> to vector<256x1xf32>
      %add3A = arith.addf %get3A_56, %broadcast_in_dim3A : vector<256x1xf32>
      %swap3A = arith.constant 0 : index
      %swap3A_60 = arith.constant 0 : index
      %swap3A_61 = vector.load %arg10[%swap3A, %swap3A_60] : memref<256x1xf32, #tpu.memory_space<vmem>>, vector<256x1xf32>
      tpu.vector_store %arg10[%swap3A, %swap3A_60], %add3A {strides = array<i32>} : memref<256x1xf32, #tpu.memory_space<vmem>>, vector<256x1xf32>,
      %broadcast_in_dim3A_62 = arith.constant 1.000000e+00 : bf16
      %broadcast_in_dim3A_63 = vector.broadcast %broadcast_in_dim3A_62 : bf16 to vector<1x4000xbf16>
      %get3A_64 = arith.constant 0 : index
      %get3A_65 = arith.constant 0 : index
      %get3A_66 = vector.load %arg11[%get3A_64, %get3A_65] : memref<1x256xf32, #tpu.memory_space<vmem>>, vector<1x256xf32>
      %dot_general3A_67 = arith.constant dense<0.000000e+00> : vector<1x256xf32>
      %dot_general3A_68 = tpu.matmul %broadcast_in_dim3A_63, %convert_element_type3A_51, %dot_general3A_67 {dimension_numbers = #tpu.dot_dimension_numbers<[1], [0], [0], [1], [0, 0, 1, 1], [], []>, transpose_lhs_hint = false} : vector<1x4000xbf16>, vector<4000x256xbf16>, vector<1x256xf32> -> vector<1x256xf32>
      %add3A_69 = arith.addf %get3A_66, %dot_general3A_68 : vector<1x256xf32>
      %swap3A_70 = arith.constant 0 : index
      %swap3A_71 = arith.constant 0 : index
      %swap3A_72 = vector.load %arg11[%swap3A_70, %swap3A_71] : memref<1x256xf32, #tpu.memory_space<vmem>>, vector<1x256xf32>
      tpu.vector_store %arg11[%swap3A_70, %swap3A_71], %add3A_69 {strides = array<i32>} : memref<1x256xf32, #tpu.memory_space<vmem>>, vector<1x256xf32>,
      %get3A_73 = arith.constant 0 : index
      %get3A_74 = arith.constant 0 : index
      %get3A_75 = vector.load %arg12[%get3A_73, %get3A_74] : memref<256x1xf32, #tpu.memory_space<vmem>>, vector<256x1xf32>
      %jit3A = arith.constant -1.000000e+09 : f32
      %broadcast_in_dim3A_76 = vector.broadcast %jit3A : f32 to vector<256x4000xf32>
      %select_n3A = arith.select %eq3A_21, %dot_general3A_10, %broadcast_in_dim3A_76 : vector<256x4000xi1>, vector<256x4000xf32>
      %reduce_max3A = arith.constant dense<0xFF800000> : vector<256xf32>
      %reduce_max3A_77 = vector.multi_reduction <maximumf>, %select_n3A, %reduce_max3A [1] : vector<256x4000xf32> to vector<256xf32>
      %broadcast_in_dim3A_78 = vector.shape_cast %reduce_max3A_77 : vector<256xf32> to vector<256x1xf32>
      %max3A = arith.maximumf %get3A_75, %broadcast_in_dim3A_78 : vector<256x1xf32>
      %swap3A_79 = arith.constant 0 : index
      %swap3A_80 = arith.constant 0 : index
      %swap3A_81 = vector.load %arg12[%swap3A_79, %swap3A_80] : memref<256x1xf32, #tpu.memory_space<vmem>>, vector<256x1xf32>
      tpu.vector_store %arg12[%swap3A_79, %swap3A_80], %max3A {strides = array<i32>} : memref<256x1xf32, #tpu.memory_space<vmem>>, vector<256x1xf32>,
      %get3A_82 = arith.constant 0 : index
      %get3A_83 = arith.constant 0 : index
      %get3A_84 = vector.load %arg13[%get3A_82, %get3A_83] : memref<256x1xf32, #tpu.memory_space<vmem>>, vector<256x1xf32>
      %jit3A_85 = arith.constant -1.000000e+09 : f32
      %broadcast_in_dim3A_86 = vector.broadcast %jit3A_85 : f32 to vector<256x4000xf32>
      %select_n3A_87 = arith.select %eq3A_21, %broadcast_in_dim3A_86, %dot_general3A_10 : vector<256x4000xi1>, vector<256x4000xf32>
      %reduce_max3A_88 = arith.constant dense<0xFF800000> : vector<256xf32>
      %reduce_max3A_89 = vector.multi_reduction <maximumf>, %select_n3A_87, %reduce_max3A_88 [1] : vector<256x4000xf32> to vector<256xf32>
      %broadcast_in_dim3A_90 = vector.shape_cast %reduce_max3A_89 : vector<256xf32> to vector<256x1xf32>
      %max3A_91 = arith.maximumf %get3A_84, %broadcast_in_dim3A_90 : vector<256x1xf32>
      %swap3A_92 = arith.constant 0 : index
      %swap3A_93 = arith.constant 0 : index
      %swap3A_94 = vector.load %arg13[%swap3A_92, %swap3A_93] : memref<256x1xf32, #tpu.memory_space<vmem>>, vector<256x1xf32>
      tpu.vector_store %arg13[%swap3A_92, %swap3A_93], %max3A_91 {strides = array<i32>} : memref<256x1xf32, #tpu.memory_space<vmem>>, vector<256x1xf32>,
    } else {
    }
    %eq3A_27 = arith.constant 1 : i32
    %eq3A_28 = arith.cmpi eq, %arg0, %eq3A_27 : i32
    %eq3A_29 = arith.constant 0 : i32
    %eq3A_30 = arith.cmpi eq, %arg1, %eq3A_29 : i32
    %and3A_31 = arith.andi %eq3A_28, %eq3A_30 : i1
    %convert_element_type3A_32 = arith.extui %and3A_31 : i1 to i32
    %cond3A_33 = arith.constant 0 : i32
    %cond3A_34 = arith.cmpi ne, %convert_element_type3A_32, %cond3A_33 : i32
    scf.if %cond3A_34 {
      %get3A_48 = arith.constant 0 : index
      %get3A_49 = arith.constant 0 : index
      %get3A_50 = vector.load %arg12[%get3A_48, %get3A_49] : memref<256x1xf32, #tpu.memory_space<vmem>>, vector<256x1xf32>
      %gt3A = arith.constant -1.000000e+08 : f32
      %gt3A_51 = vector.broadcast %gt3A : f32 to vector<256x1xf32>
      %gt3A_52 = arith.cmpf ogt, %get3A_50, %gt3A_51 : vector<256x1xf32>
      %jit3A = arith.constant 1.000000e+00 : f32
      %jit3A_53 = arith.constant 0.000000e+00 : f32
      %broadcast_in_dim3A = vector.broadcast %jit3A : f32 to vector<256x1xf32>
      %broadcast_in_dim3A_54 = vector.broadcast %jit3A_53 : f32 to vector<256x1xf32>
      %select_n3A = arith.select %gt3A_52, %broadcast_in_dim3A, %broadcast_in_dim3A_54 : vector<256x1xi1>, vector<256x1xf32>
      %swap3A = arith.constant 0 : index
      %swap3A_55 = arith.constant 0 : index
      %swap3A_56 = vector.load %arg15[%swap3A, %swap3A_55] : memref<256x1xf32, #tpu.memory_space<vmem>>, vector<256x1xf32>
      tpu.vector_store %arg15[%swap3A, %swap3A_55], %select_n3A {strides = array<i32>} : memref<256x1xf32, #tpu.memory_space<vmem>>, vector<256x1xf32>,
      %get3A_57 = arith.constant 0 : index
      %get3A_58 = arith.constant 0 : index
      %get3A_59 = vector.load %arg13[%get3A_57, %get3A_58] : memref<256x1xf32, #tpu.memory_space<vmem>>, vector<256x1xf32>
      %add3A = arith.constant 1.000000e-01 : f32
      %add3A_60 = vector.broadcast %add3A : f32 to vector<256x1xf32>
      %add3A_61 = arith.addf %get3A_59, %add3A_60 : vector<256x1xf32>
      %swap3A_62 = arith.constant 0 : index
      %swap3A_63 = arith.constant 0 : index
      %swap3A_64 = vector.load %arg13[%swap3A_62, %swap3A_63] : memref<256x1xf32, #tpu.memory_space<vmem>>, vector<256x1xf32>
      tpu.vector_store %arg13[%swap3A_62, %swap3A_63], %add3A_61 {strides = array<i32>} : memref<256x1xf32, #tpu.memory_space<vmem>>, vector<256x1xf32>,
      %get3A_65 = arith.constant 0 : index
      %get3A_66 = arith.constant 0 : index
      %get3A_67 = vector.load %arg12[%get3A_65, %get3A_66] : memref<256x1xf32, #tpu.memory_space<vmem>>, vector<256x1xf32>
      %max3A = arith.constant 6.000000e-01 : f32
      %max3A_68 = vector.broadcast %max3A : f32 to vector<256x1xf32>
      %max3A_69 = arith.maximumf %max3A_68, %get3A_67 : vector<256x1xf32>
      %sub3A = arith.constant 1.000000e-01 : f32
      %sub3A_70 = vector.broadcast %sub3A : f32 to vector<256x1xf32>
      %sub3A_71 = arith.subf %max3A_69, %sub3A_70 : vector<256x1xf32>
      %swap3A_72 = arith.constant 0 : index
      %swap3A_73 = arith.constant 0 : index
      %swap3A_74 = vector.load %arg12[%swap3A_72, %swap3A_73] : memref<256x1xf32, #tpu.memory_space<vmem>>, vector<256x1xf32>
      tpu.vector_store %arg12[%swap3A_72, %swap3A_73], %sub3A_71 {strides = array<i32>} : memref<256x1xf32, #tpu.memory_space<vmem>>, vector<256x1xf32>,
      %broadcast_in_dim3A_75 = arith.constant 0.000000e+00 : f32
      %broadcast_in_dim3A_76 = vector.broadcast %broadcast_in_dim3A_75 : f32 to vector<256x1xf32>
      %swap3A_77 = arith.constant 0 : index
      %swap3A_78 = arith.constant 0 : index
      %swap3A_79 = vector.load %arg14[%swap3A_77, %swap3A_78] : memref<256x1xf32, #tpu.memory_space<vmem>>, vector<256x1xf32>
      tpu.vector_store %arg14[%swap3A_77, %swap3A_78], %broadcast_in_dim3A_76 {strides = array<i32>} : memref<256x1xf32, #tpu.memory_space<vmem>>, vector<256x1xf32>,
    } else {
    }
    %eq3A_35 = arith.constant 1 : i32
    %eq3A_36 = arith.cmpi eq, %arg0, %eq3A_35 : i32
    %convert_element_type3A_37 = arith.extui %eq3A_36 : i1 to i32
    %cond3A_38 = arith.constant 0 : i32
    %cond3A_39 = arith.cmpi ne, %convert_element_type3A_37, %cond3A_38 : i32
    scf.if %cond3A_39 {
      %get3A_48 = arith.constant 0 : index
      %get3A_49 = arith.constant 0 : index
      %get3A_50 = vector.load %arg13[%get3A_48, %get3A_49] : memref<256x1xf32, #tpu.memory_space<vmem>>, vector<256x1xf32>
      %lt3A = vector.broadcast %get3A_50 : vector<256x1xf32> to vector<256x4000xf32>
      %lt3A_51 = arith.cmpf olt, %dot_general3A_10, %lt3A : vector<256x4000xf32>
      %and3A_52 = arith.andi %eq3A_21, %lt3A_51 : vector<256x4000xi1>
      %sub3A = arith.constant 1.000000e+00 : f32
      %sub3A_53 = vector.broadcast %sub3A : f32 to vector<256x4000xf32>
      %sub3A_54 = arith.subf %sub3A_53, %dot_general3A_10 : vector<256x4000xf32>
      %get3A_55 = arith.constant 0 : index
      %get3A_56 = arith.constant 0 : index
      %get3A_57 = vector.load %arg12[%get3A_55, %get3A_56] : memref<256x1xf32, #tpu.memory_space<vmem>>, vector<256x1xf32>
      %le3A = vector.broadcast %get3A_57 : vector<256x1xf32> to vector<256x4000xf32>
      %le3A_58 = arith.cmpf ole, %dot_general3A_10, %le3A : vector<256x4000xf32>
      %or3A = arith.ori %eq3A_21, %le3A_58 : vector<256x4000xi1>
      %jit3A = arith.constant 0.000000e+00 : f32
      %broadcast_in_dim3A = vector.broadcast %jit3A : f32 to vector<256x4000xf32>
      %select_n3A = arith.select %or3A, %broadcast_in_dim3A, %dot_general3A_10 : vector<256x4000xi1>, vector<256x4000xf32>
      %select_n3A_59 = arith.select %and3A_52, %sub3A_54, %select_n3A : vector<256x4000xi1>, vector<256x4000xf32>
      %get3A_60 = arith.constant 0 : index
      %get3A_61 = arith.constant 0 : index
      %get3A_62 = vector.load %arg14[%get3A_60, %get3A_61] : memref<256x1xf32, #tpu.memory_space<vmem>>, vector<256x1xf32>
      %reduce_sum3A = arith.constant dense<0.000000e+00> : vector<256xf32>
      %reduce_sum3A_63 = vector.multi_reduction <add>, %select_n3A_59, %reduce_sum3A [1] : vector<256x4000xf32> to vector<256xf32>
      %broadcast_in_dim3A_64 = vector.shape_cast %reduce_sum3A_63 : vector<256xf32> to vector<256x1xf32>
      %add3A = arith.addf %get3A_62, %broadcast_in_dim3A_64 : vector<256x1xf32>
      %swap3A = arith.constant 0 : index
      %swap3A_65 = arith.constant 0 : index
      %swap3A_66 = vector.load %arg14[%swap3A, %swap3A_65] : memref<256x1xf32, #tpu.memory_space<vmem>>, vector<256x1xf32>
      tpu.vector_store %arg14[%swap3A, %swap3A_65], %add3A {strides = array<i32>} : memref<256x1xf32, #tpu.memory_space<vmem>>, vector<256x1xf32>,
    } else {
    }
    %eq3A_40 = arith.constant 1 : i32
    %eq3A_41 = arith.cmpi eq, %arg0, %eq3A_40 : i32
    %eq3A_42 = arith.constant 24 : i32
    %eq3A_43 = arith.cmpi eq, %arg1, %eq3A_42 : i32
    %and3A_44 = arith.andi %eq3A_41, %eq3A_43 : i1
    %convert_element_type3A_45 = arith.extui %and3A_44 : i1 to i32
    %cond3A_46 = arith.constant 0 : i32
    %cond3A_47 = arith.cmpi ne, %convert_element_type3A_45, %cond3A_46 : i32
    scf.if %cond3A_47 {
      %get3A_48 = arith.constant 0 : index
      %get3A_49 = arith.constant 0 : index
      %get3A_50 = vector.load %arg10[%get3A_48, %get3A_49] : memref<256x1xf32, #tpu.memory_space<vmem>>, vector<256x1xf32>
      %log3A = math.log %get3A_50 : vector<256x1xf32>
      %get3A_51 = arith.constant 0 : index
      %get3A_52 = arith.constant 0 : index
      %get3A_53 = vector.load %arg3[%get3A_51, %get3A_52] : memref<256x256xf32, #tpu.memory_space<vmem>>, vector<256x256xf32>
      %mul3A = arith.mulf %get3A_53, %get3A_53 : vector<256x256xf32>
      %reduce_sum3A = arith.constant dense<0.000000e+00> : vector<256xf32>
      %reduce_sum3A_54 = vector.multi_reduction <add>, %mul3A, %reduce_sum3A [1] : vector<256x256xf32> to vector<256xf32>
      %broadcast_in_dim3A = vector.shape_cast %reduce_sum3A_54 : vector<256xf32> to vector<256x1xf32>
      %rsqrt3A = math.rsqrt %broadcast_in_dim3A : vector<256x1xf32>
      %mul3A_55 = vector.broadcast %rsqrt3A : vector<256x1xf32> to vector<256x256xf32>
      %mul3A_56 = arith.mulf %get3A_53, %mul3A_55 : vector<256x256xf32>
      %get3A_57 = arith.constant 0 : index
      %get3A_58 = arith.constant 0 : index
      %get3A_59 = vector.load %arg11[%get3A_57, %get3A_58] : memref<1x256xf32, #tpu.memory_space<vmem>>, vector<1x256xf32>
      %mul3A_60 = vector.broadcast %get3A_59 : vector<1x256xf32> to vector<256x256xf32>
      %mul3A_61 = arith.mulf %mul3A_56, %mul3A_60 : vector<256x256xf32>
      %reduce_sum3A_62 = arith.constant dense<0.000000e+00> : vector<256xf32>
      %reduce_sum3A_63 = vector.multi_reduction <add>, %mul3A_61, %reduce_sum3A_62 [1] : vector<256x256xf32> to vector<256xf32>
      %broadcast_in_dim3A_64 = vector.shape_cast %reduce_sum3A_63 : vector<256xf32> to vector<256x1xf32>
      %mul3A_65 = arith.constant 2.000000e+01 : f32
      %mul3A_66 = vector.broadcast %mul3A_65 : f32 to vector<256x1xf32>
      %mul3A_67 = arith.mulf %broadcast_in_dim3A_64, %mul3A_66 : vector<256x1xf32>
      %mul3A_68 = arith.constant 0.899999976 : f32
      %mul3A_69 = vector.broadcast %mul3A_68 : f32 to vector<256x1xf32>
      %mul3A_70 = arith.mulf %mul3A_69, %log3A : vector<256x1xf32>
      %mul3A_71 = arith.constant 1.000000e+05 : f32
      %mul3A_72 = vector.broadcast %mul3A_71 : f32 to vector<256x1xf32>
      %mul3A_73 = arith.mulf %mul3A_72, %log3A : vector<256x1xf32>
      %sub3A = arith.subf %mul3A_73, %mul3A_67 : vector<256x1xf32>
      %mul3A_74 = arith.constant 9.99999997E-7 : f32
      %mul3A_75 = vector.broadcast %mul3A_74 : f32 to vector<256x1xf32>
      %mul3A_76 = arith.mulf %mul3A_75, %sub3A : vector<256x1xf32>
      %add3A = arith.addf %mul3A_70, %mul3A_76 : vector<256x1xf32>
      %swap3A = arith.constant 0 : index
      %swap3A_77 = arith.constant 0 : index
      %swap3A_78 = vector.load %arg7[%swap3A, %swap3A_77] : memref<256x1xf32, #tpu.memory_space<vmem>>, vector<256x1xf32>
      tpu.vector_store %arg7[%swap3A, %swap3A_77], %add3A {strides = array<i32>} : memref<256x1xf32, #tpu.memory_space<vmem>>, vector<256x1xf32>,
      %get3A_79 = arith.constant 0 : index
      %get3A_80 = arith.constant 0 : index
      %get3A_81 = vector.load %arg15[%get3A_79, %get3A_80] : memref<256x1xf32, #tpu.memory_space<vmem>>, vector<256x1xf32>
      %gt3A = arith.constant 0.000000e+00 : f32
      %gt3A_82 = vector.broadcast %gt3A : f32 to vector<256x1xf32>
      %gt3A_83 = arith.cmpf ogt, %get3A_81, %gt3A_82 : vector<256x1xf32>
      %get3A_84 = arith.constant 0 : index
      %get3A_85 = arith.constant 0 : index
      %get3A_86 = vector.load %arg14[%get3A_84, %get3A_85] : memref<256x1xf32, #tpu.memory_space<vmem>>, vector<256x1xf32>
      %jit3A = arith.constant 0.000000e+00 : f32
      %broadcast_in_dim3A_87 = vector.broadcast %jit3A : f32 to vector<256x1xf32>
      %select_n3A = arith.select %gt3A_83, %get3A_86, %broadcast_in_dim3A_87 : vector<256x1xi1>, vector<256x1xf32>
      %reduce_sum3A_88 = vector.shape_cast %select_n3A : vector<256x1xf32> to vector<1x256x1xf32>
      %reduce_sum3A_89 = arith.constant dense<0.000000e+00> : vector<1xf32>
      %reduce_sum3A_90 = vector.multi_reduction <add>, %reduce_sum3A_88, %reduce_sum3A_89 [1, 2] : vector<1x256x1xf32> to vector<1xf32>
      %reduce_sum3A_91 = vector.shape_cast %reduce_sum3A_90 : vector<1xf32> to vector<1x1x1xf32>
      %reduce_sum3A_92 = vector.extract %reduce_sum3A_91[0, 0, 0] : f32 from vector<1x1x1xf32>
      %broadcast_in_dim3A_93 = vector.broadcast %reduce_sum3A_92 : f32 to vector<1x1xf32>
      %div3A = arith.constant 2.560000e+02 : f32
      %div3A_94 = vector.broadcast %div3A : f32 to vector<1x1xf32>
      %div3A_95 = arith.divf %broadcast_in_dim3A_93, %div3A_94 : vector<1x1xf32>
      %swap3A_96 = arith.constant 0 : index
      %swap3A_97 = arith.constant 0 : index
      %swap3A_98 = vector.load %arg8[%swap3A_96, %swap3A_97] : memref<1x1xf32, #tpu.memory_space<vmem>>, vector<1x1xf32>
      tpu.vector_store %arg8[%swap3A_96, %swap3A_97], %div3A_95 {strides = array<i32>} : memref<1x1xf32, #tpu.memory_space<vmem>>, vector<1x1xf32>,
    } else {
    }
    return
  }
  func.func @transform_0(%arg0: i32, %arg1: i32) -> (i32, i32) {
    %c0_i32 = arith.constant 0 : i32
    %c0_i32_0 = arith.constant 0 : i32
    %c0_i32_1 = arith.constant 0 : i32
    return %c0_i32, %c0_i32_0 : i32, i32
  }
  func.func @transform_1(%arg0: i32, %arg1: i32) -> (i32, i32) {
    %c0_i32 = arith.constant 0 : i32
    %c0_i32_0 = arith.constant 0 : i32
    %c0_i32_1 = arith.constant 0 : i32
    return %c0_i32, %c0_i32_0 : i32, i32
  }
  func.func @transform_2(%arg0: i32, %arg1: i32) -> (i32, i32) {
    %sub3A = arith.constant 1 : i32
    %sub3A_0 = arith.subi %sub3A, %arg0 : i32
    %mul3A = arith.muli %arg1, %sub3A_0 : i32
    %c0_i32 = arith.constant 0 : i32
    %c0_i32_1 = arith.constant 0 : i32
    return %mul3A, %c0_i32 : i32, i32
  }
  func.func @transform_3(%arg0: i32, %arg1: i32) -> (i32, i32) {
    %c0_i32 = arith.constant 0 : i32
    %c0_i32_0 = arith.constant 0 : i32
    return %arg1, %c0_i32 : i32, i32
  }
  func.func @transform_4(%arg0: i32, %arg1: i32) -> (i32, i32, i32) {
    %c0_i32 = arith.constant 0 : i32
    %c0_i32_0 = arith.constant 0 : i32
    %c0_i32_1 = arith.constant 0 : i32
    return %arg1, %c0_i32, %c0_i32_0 : i32, i32, i32
  }
  func.func @transform_5(%arg0: i32, %arg1: i32) -> (i32, i32) {
    %c0_i32 = arith.constant 0 : i32
    %c0_i32_0 = arith.constant 0 : i32
    %c0_i32_1 = arith.constant 0 : i32
    return %c0_i32, %c0_i32_0 : i32, i32
  }
  func.func @transform_6(%arg0: i32, %arg1: i32) -> (i32, i32) {
    %c0_i32 = arith.constant 0 : i32
    %c0_i32_0 = arith.constant 0 : i32
    %c0_i32_1 = arith.constant 0 : i32
    return %c0_i32, %c0_i32_0 : i32, i32
  }
}

</mosaic_0001>

<sc_bundles>
// kernel: _run.5.cloned.1.call-start
scs
__scs_entry_jumppad:
0x0: {  	(pc) =	sbr.rel $0x88, $3  }
0x1: {  	(tag) =	ssettag $0x0;
	lr =	simm.s32 $0x1  }
0x2: {  	[smem:$0x3F9C] =	sst lr;
	_ =	strace $0xD0000000  }
0x3: {  	_ = 	snop  }
0x4: {  	_ = 	snop  }
0x5: {  	_ = 	snop  }
0x6: {  	_ = 	snop  }
0x7: {  	_ = 	snop  }
__scs_overlays_trampoline_lowered:
0x8: {  	[smem:$0x3FAB] =	sst s0  }
0x9: {  	[smem:$0x3FAC] =	sst s1  }
0xa: {  	[smem:$0x3FAD] =	sst s2  }
0xb: {  	[smem:$0x3FAE] =	sst s3  }
0xc: {  	[smem:$0x3FAF] =	sst s4  }
0xd: {  	[smem:$0x3FB0] =	sst s5  }
0xe: {  	[smem:$0x3FB1] =	sst s6  }
0xf: {  	[smem:$0x3FB2] =	sst s7  }
0x10: {  	[smem:$0x3FB3] =	sst s8  }
0x11: {  	[smem:$0x3FB4] =	sst s9;
	s0 =	simm.s32 @!p0 $0x0  }
0x12: {  	s1 =	sld [smem:$0x3F9A];
	s0 =	simm.s32 @p0 $0x1  }
0x13: {  	[smem:$0x3FB5] =	sst s0;
	s0 =	simm.s32 @!p1 $0x0  }
0x14: {  	s2 =	sld [smem:$0x3F99];
	s0 =	simm.s32 @p1 $0x1  }
0x15: {  	[smem:$0x3FB6] =	sst s0;
	s0 =	simm.s32 @!p2 $0x0  }
0x16: {  	s3 =	sld [smem:$0x3FDB];
	s0 =	simm.s32 @p2 $0x1  }
0x17: {  	s4 =	simm.s32 $0x1BF5;
	[smem:$0x3FB8] =	sst s0  }
0x18: {  	s0 =	sld [smem:$0x3F9B];
	_ =	swait.ge [sflag:s4], $0x0  }
0x19: {  	s7 =	sld [smem:$0x3F9C]  }
0x1a: {  	s8 =	sadd.s32 $0xFFFFE003, lr  }
0x1b: {  	s9 =	sadd.s32 $0xFFFFFEF7, lr;
	s5 =	simm.s32 $0xFFFFFFFF;
	p2 =	slt.u32 s8, $0xFFFFF086  }
0x1c: {  	p1 =	slt.u32 s9, $0xF7A;
	s5 =	simm.s32 @!p2 $0x0  }
0x1d: {  	s5 =	simm.s32 @p1 $0x1;
	p0 =	seq.s32 s7, s2  }
0x1e: {  	s7 =	smul.u32 @!p0 $0xF7A, s2;
	p2 =	seq.s32 @!p0 s5, $0x0  }
0x1f: {  	s9 =	smul.u32 $0xF7A, s1;
	s8 =	simm.s32 @!p0 $0x1BF5;
	p2 =	por !p2, p0  }
0x20: {  	[sflag:s8] =	ssyncset.s32 @!p0 $0xFFFFF086;
	s6 =	sadd.s32 @!p0 s3, s7;
	s7 =	simm.s32 @!p0 $0x108  }
0x21: {  	s3 =	sadd.s32 s3, s9;
	s6 =	sadd.s32 @!p0 $0x88, s6;
	s7 =	simm.s32 @p2 $0x1082  }
0x22: {  	[simem:s7], [sflag:s8] =	dma.local @!p0 [hbm:s6], $0xF7A  }
0x23: {  	s9 =	sor.u32 $0xD0000000, s2;
	s6 =	simm.s32 $0x108;
	_ =	swait.ge @!p0 [sflag:s8], $0x0  }
0x24: {  	s3 =	sadd.s32 $0x88, s3;
	s6 =	simm.s32 @!p1 $0x1082;
	[sflag:s4] =	ssyncset.s32 $0xFFFFF086  }
0x25: {  	[simem:s6], [sflag:s4] =	dma.local [hbm:s3], $0xF7A  }
0x26: {  	[smem:$0x3F9C] =	sst s1;
	(tag) =	ssettag s2;
	_ =	strace s9  }
0x27: {  	s1 =	sld [smem:$0x3FAC]  }
0x28: {  	s2 =	sld [smem:$0x3FAD]  }
0x29: {  	s4 =	sld [smem:$0x3FAF]  }
0x2a: {  	p0 =	seq.s32 s5, $0x0;
	s5 =	sld [smem:$0x3FB0]  }
0x2b: {  	s6 =	sld [smem:$0x3FB1]  }
0x2c: {  	s7 =	sld [smem:$0x3FB2]  }
0x2d: {  	s3 =	simm.s32 $0x108;
	s8 =	sld [smem:$0x3FB3]  }
0x2e: {  	s3 =	simm.s32 @!p0 $0x1082;
	s9 =	sld [smem:$0x3FB4]  }
0x2f: {  	lr =	sadd.s32 s0, s3;
	s0 =	sld [smem:$0x3FAB]  }
0x30: {  	s3 =	sld [smem:$0x3FAE]  }
0x31: {  	[smem:$0x3FB7] =	sst s10  }
0x32: {  	s10 =	sld [smem:$0x3FB5];
	_ =	sdelay $0x3  }
0x33: {  	p0 =	seq.s32 s10, $0x1;
	s10 =	sld [smem:$0x3FB7];
	_ =	sdelay $0x3  }
0x34: {  	[smem:$0x3FB7] =	sst s10  }
0x35: {  	s10 =	sld [smem:$0x3FB6];
	_ =	sdelay $0x3  }
0x36: {  	p1 =	seq.s32 s10, $0x1;
	s10 =	sld [smem:$0x3FB7];
	_ =	sdelay $0x3  }
0x37: {  	[smem:$0x3FB7] =	sst s10  }
0x38: {  	s10 =	sld [smem:$0x3FB8]  }
0x39: {  	_ = 	snop;
	(pc) =	sbr.ind lr, $3  }
0x3a: {  	_ = 	snop  }
0x3b: {  	_ = 	snop  }
0x3c: {  	p2 =	seq.s32 s10, $0x1;
	s10 =	sld [smem:$0x3FB7]  }
0x3d: {  	_ =	shalt  }
0x3e: {  	_ =	shalt  }
0x3f: {  	_ =	shalt  }
0x40: {  	_ =	shalt  }
0x41: {  	_ =	shalt  }
0x42: {  	_ =	shalt  }
0x43: {  	_ =	shalt  }
0x44: {  	_ =	shalt  }
0x45: {  	_ =	shalt  }
0x46: {  	_ =	shalt  }
0x47: {  	_ =	shalt  }
0x48: {  	_ =	shalt  }
0x49: {  	_ =	shalt  }
0x4a: {  	_ =	shalt  }
0x4b: {  	_ =	shalt  }
0x4c: {  	_ =	shalt  }
0x4d: {  	_ =	shalt  }
0x4e: {  	_ =	shalt  }
0x4f: {  	_ =	shalt  }
0x50: {  	_ =	shalt  }
0x51: {  	_ =	shalt  }
0x52: {  	_ =	shalt  }
0x53: {  	_ =	shalt  }
0x54: {  	_ =	shalt  }
0x55: {  	_ =	shalt  }
0x56: {  	_ =	shalt  }
0x57: {  	_ =	shalt  }
0x58: {  	_ =	shalt  }
0x59: {  	_ =	shalt  }
0x5a: {  	_ =	shalt  }
0x5b: {  	_ =	shalt  }
0x5c: {  	_ =	shalt  }
0x5d: {  	_ =	shalt  }
0x5e: {  	_ =	shalt  }
0x5f: {  	_ =	shalt  }
0x60: {  	_ =	shalt  }
0x61: {  	_ =	shalt  }
0x62: {  	_ =	shalt  }
0x63: {  	_ =	shalt  }
0x64: {  	_ =	shalt  }
0x65: {  	_ =	shalt  }
0x66: {  	_ =	shalt  }
0x67: {  	_ =	shalt  }
0x68: {  	_ =	shalt  }
0x69: {  	_ =	shalt  }
0x6a: {  	_ =	shalt  }
0x6b: {  	_ =	shalt  }
0x6c: {  	_ =	shalt  }
0x6d: {  	_ =	shalt  }
0x6e: {  	_ =	shalt  }
0x6f: {  	_ =	shalt  }
0x70: {  	_ =	shalt  }
0x71: {  	_ =	shalt  }
0x72: {  	_ =	shalt  }
0x73: {  	_ =	shalt  }
0x74: {  	_ =	shalt  }
0x75: {  	_ =	shalt  }
0x76: {  	_ =	shalt  }
0x77: {  	_ =	shalt  }
0x78: {  	_ =	shalt  }
0x79: {  	_ =	shalt  }
0x7a: {  	_ =	shalt  }
0x7b: {  	_ =	shalt  }
0x7c: {  	_ =	shalt  }
0x7d: {  	_ =	shalt  }
0x7e: {  	_ =	shalt  }
0x7f: {  	_ =	shalt  }
0x80: {  	_ =	shalt  }
0x81: {  	_ =	shalt  }
0x82: {  	_ =	shalt  }
0x83: {  	_ =	shalt  }
0x84: {  	_ =	shalt  }
0x85: {  	_ =	shalt  }
0x86: {  	_ =	shalt  }
0x87: {  	_ =	shalt  }
.Lfunc_end0:
.L_simem_size_0:
called_computation_lowered:
.L_overlay_start_0:
0x88: {  	s2 =	sld [smem:$0x3FD9]  }
0x89: {  	s3 =	sld [smem:$0x3FFE];
	_ =	sdelay $0x1  }
0x8a: {  	s1 =	srdreg.scid  }
0x8b: {  	s0 =	sand.u32 $0x1, s1  }
0x8c: {  	s17 =	sshll.u32 s0, $0xA;
	s2 =	sadd.s32 s3, s2  }
0x8d: {  	s2 =	sadd.s32 s2, s17  }
0x8e: {  	[smem:$0x3FC3] =	sst s2  }
0x8f: {  	_ = 	snop  }
0x90: {  	s2 =	sld [smem:$0x3FC8]  }
0x91: {  	s18 =	sld [smem:$0x3FC7];
	(tm) =	ssettm $0x1  }
0x92: {  	s4 =	sld [smem:$0x3FFB];
	_ =	sdelay $0x3  }
0x93: {  	_ =	strace s4  }
0x94: {  	s4 =	sld [smem:$0x3FFC];
	_ =	sdelay $0x3  }
0x95: {  	_ =	strace s4  }
0x96: {  	s4 =	sld [smem:$0x3FFD];
	_ =	sdelay $0x3  }
0x97: {  	_ =	strace s4  }
0x98: {  	_ =	strace $0x8FFFFFFF  }
0x99: {  	s19 =	sld [smem:$0x3FDB];
	_ =	sdelay $0x1  }
0x9a: {  	s5 =	simm.s32 $_scs_section_size  }
0x9b: {  	s6 =	simm.s32 $_size__tile_overlayer_lowered;
	s7 =	simm.s32 $_tile_overlayer_lowered  }
0x9c: {  	s22 =	simm.s32 $0x1BFF;
	s21 =	sshll.u32 s7, $0x1;
	s4 =	sadd.s32 s5, s19  }
0x9d: {  	s8 =	simm.s32 $0x0;
	s20 =	sshll.u32 s6, $0x1;
	s6 =	sadd.s32 s21, s4  }
0x9e: {  	[timem:s8], [sflag:s22] =	dma.local [hbm:s6], s20  }
0x9f: {  	_ =	swait.ge [sflag:s22], s20  }
0xa0: {  	s5 =	ssub.s32 $0x0, s20;
	[sflag:s22] =	ssyncset.done $0x0  }
0xa1: {  	[sflag:s22] =	ssyncadd.s32 s5;
	_ =	sdelay $0x1  }
0xa2: {  	s23 =	simm.s32 $0x1B8B  }
0xa3: {  	_ =	swait.ge [sflag:s23], $0x1  }
0xa4: {  	[sflag:s23] =	ssyncset.done $0x0  }
0xa5: {  	s25 =	simm.s32 $0x1B8E;
	s24 =	sld [smem:$0x3FFE];
	[sflag:s23] =	ssyncadd.s32 $0xFFFFFFFF  }
0xa6: {  	s26 =	simm.s32 $execute0_lowered;
	[smem:$0x3FD2] =	sst s25  }
0xa7: {  	s6 =	sshll.u32 s26, $0x1;
	_ =	strace $0x80000046;
	[dreg:$0x1] =	wrdreg $0xFFFFFFFF  }
0xa8: {  	s28 =	simm.s32 $_size_execute0_lowered;
	s4 =	sadd.s32 s4, s6;
	[dreg:$0x0] =	wrdreg $0x0  }
0xa9: {  	s6 =	sshll.u32 s28, $0x1;
	[dreg:$0x2] =	wrdreg s4  }
0xaa: {  	[dreg:$0x3] =	wrdreg s6  }
0xab: {  	[dreg:$0x4] =	wrdreg $0xC0  }
0xac: {  	_ =	task [dreg:s8], $0x5FFFF  }
0xad: {  	[dreg:$0x1] =	wrdreg $0xFFFFFFFF  }
0xae: {  	[dreg:$0x0] =	wrdreg $0x60  }
0xaf: {  	[dreg:$0x2] =	wrdreg s18  }
0xb0: {  	[dreg:$0x3] =	wrdreg s2  }
0xb1: {  	[dreg:$0x4] =	wrdreg s24  }
0xb2: {  	[dreg:$0x5] =	wrdreg $0x9  }
0xb3: {  	_ =	task.clear_ibuf [dreg:s8], $0x6FFFF;
	_ =	strace $0x90000046  }
0xb4: {  	s29 =	simm.s32 $0x9;
	_ =	strace $0x80000048  }
0xb5: {  	_ =	swait.ge [sflag:s29], $0x1  }
0xb6: {  	[sflag:s29] =	ssyncadd.s32 $0xFFFFFFFF  }
0xb7: {  	_ =	strace $0x90000048  }
0xb8: {  	_ =	sfence  }
0xb9: {  	s30 =	sld [smem:$0x0];
	_ =	sdelay $0x2  }
0xba: {  	s31 =	sshll.u32 s1, $0xD;
	s1 =	sshrl.u32 s1, $0x2  }
0xbb: {  	s3 =	sand.u32 $0x4000, s31;
	s1 =	sadd.s32 s1, s30  }
0xbc: {  	s0 =	sor.u32 s3, s0;
	s1 =	sshll.u32 s1, $0x11  }
0xbd: {  	s0 =	sor.u32 s1, s0  }
0xbe: {  	s0 =	sadd.s32 $0x8F2B, s0  }
0xbf: {  	[sflag:s0] =	ssyncadd.remote.s32 $0x1  }
0xc0: {  	_ =	sfence.sel $0xFFFF  }
0xc1: {  	[dreg:$0x0] =	wrdreg $0xFFFFFFFF;
	(pc) =	sbr.abs _section_cstart, $3  }
0xc2: {  	[dreg:$0x1] =	wrdreg $0xFFFFFFFF  }
0xc3: {  	_ =	task.clear_ibuf [dreg:s8], $0x2FFFF;
	_ =	strace $0x9FFFFFFF  }
0xc4: {  	(tm) =	ssettm $0x7FFFFFFF  }
0xc5: {  	_ =	shalt  }
tec
execute0_lowered:
.L_overlay_start_1:
0x0: {  	(tag) =	ssettag $0x1  }
0x1: {  	s1 =	rddreg [dreg:$0x0];
	s2 =	srdreg.scid  }
0x2: {  	s4 =	rddreg [dreg:$0x1];
	s0 =	stileid.u32;
	s6 =	sand.u32 $0x1, s2  }
0x3: {  	s8 =	rddreg [dreg:$0x2];
	s5 =	sshll.u32 s0, $0x4;
	s7 =	sshll.u32 s6, $0x3  }
0x4: {  	s3 =	simm.s32 $0x0;
	s2 =	rddreg [dreg:$0x3];
	s9 =	sor.u32 s7, s5  }
0x5: {  	[smem:$0x7FF] =	sst s3;
	s5 =	sshrl.u32 s9, $0x3  }
0x6: {  	_ =	strace $0x80000047;
	s5 =	sadd.s32 s4, s5;
	s4 =	simm.s32 $0x2  }
0x7: {  	[tilespmem:s3], [sflag:$0x2] =	stream.linear.gather [hbm4b:s5+s3], $0x8, $0x38;
	[tilespmem:$0x880] =	vst v63  }
0x8: {  	_ =	swait.ge [sflag:s4], $0x8  }
0x9: {  	[sflag:s4] =	ssyncset.done $0x0  }
0xa: {  	[sflag:s4] =	ssyncadd.s32 $0xFFFFFFF8  }
0xb: {  	v0 =	vld.msk [tilespmem:$0x0], $0xff;
	_ =	sdelay $0x4  }
0xc: {  	v1 =	vshll.u32 v0, $0x1  }
0xd: {  	v2 =	vlaneseq.u32;
	v3 =	vand.u32 $0x7, v0;
	v1 =	vand.u32 $0xFFFFFFF0, v1  }
0xe: {  	v0 =	vand.u32 $0x7, v2;
	v2 =	vshrl.u32 v2, $0x3;
	v3 =	vor.u32 v3, v1  }
0xf: {  	v1 =	vmul.u32 $0x8, v2;
	v2 =	vperm.xlane v3, v0;
	_ =	sdelay $0x1  }
0x10: {  	v2 =	vadd.s32 v1, v2  }
0x11: {  	s10 =	ssub.s32 $0x2, s6  }
0x12: {  	s11 =	sshrl.u32 s10, $0x1  }
0x13: {  	s6 =	simm.s32 $0x80;
	s9 =	sshll.u32 s9, $0x5;
	s31 =	ssub.s32 s10, s11  }
0x14: {  	vm0 =	vmmov $0xffff;
	s7 =	simm.s32 $0x1;
	s8 =	sadd.s32 s9, s8;
	s9 =	smax.u32 s31, $0x1  }
0x15: {  	[tilespmem:s6], [sflag:$0x1] =	stream.indirect_vreg.gather [hbm4b:s1+s3], $0x80, v2, vm0, $0xb8;
	[tilespmem:$0x880] =	vst v63  }
0x16: {  	p0 =	sne.s32 s9, $0x1;
	_ =	swait.ge [sflag:s7], $0x800  }
.Ltmp0:
0x17: {  	[sflag:s7] =	ssyncset.done $0x0;
	(pc) =	sbr.rel @!p0 .LBB2_2-.Ltmp0, $4  }
0x18: {  	s8 =	sadd.s32 $0xE00, s8;
	[sflag:s7] =	ssyncadd.s32 $0xFFFFF800  }
0x19: {  	[hbm4b:s8+s3] =	stream.linear.scatter [tilespmem:s6], [sflag:$0x2], $0x800, $0x38;
	[tilespmem:$0x880] =	vst v63  }
0x1a: {  	_ =	swait.ge [sflag:s4], $0x800  }
0x1b: {  	s9 =	sadd.s32 $0xFFFFFFFF, s9;
	[sflag:s4] =	ssyncset.done $0x0  }
.LBB2_1:
0x1c: {  	p0 =	sne.s32 s9, $0x1;
	s9 =	sadd.s32 $0xFFFFFFFF, s9;
	[sflag:s4] =	ssyncadd.s32 $0xFFFFF800  }
0x1d: {  	[tilespmem:s3], [sflag:$0x2] =	stream.linear.gather [hbm4b:s5+s3], $0x8, $0x38;
	[tilespmem:$0x880] =	vst v63  }
0x1e: {  	_ =	swait.ge [sflag:s4], $0x8  }
0x1f: {  	[sflag:s4] =	ssyncset.done $0x0  }
0x20: {  	[sflag:s4] =	ssyncadd.s32 $0xFFFFFFF8  }
0x21: {  	v2 =	vld.msk [tilespmem:$0x0], $0xff;
	_ =	sdelay $0x4  }
0x22: {  	v3 =	vshll.u32 v2, $0x1  }
0x23: {  	v2 =	vand.u32 $0x7, v2;
	v3 =	vand.u32 $0xFFFFFFF0, v3  }
0x24: {  	v2 =	vor.u32 v2, v3  }
0x25: {  	v2 =	vperm.xlane v2, v0;
	_ =	sdelay $0x1  }
0x26: {  	v2 =	vadd.s32 v1, v2;
	_ =	sdelay $0x4  }
0x27: {  	[tilespmem:s6], [sflag:$0x1] =	stream.indirect_vreg.gather [hbm4b:s1+s3], $0x80, v2, vm0, $0xb8;
	[tilespmem:$0x880] =	vst v63  }
0x28: {  	_ =	swait.ge [sflag:s7], $0x800  }
.Ltmp1:
0x29: {  	[sflag:s7] =	ssyncset.done $0x0;
	(pc) =	sbr.rel @p0 .LBB2_1-.Ltmp1, $4  }
0x2a: {  	[sflag:s7] =	ssyncadd.s32 $0xFFFFF800  }
0x2b: {  	[hbm4b:s8+s3] =	stream.linear.scatter [tilespmem:s6], [sflag:$0x2], $0x800, $0x38;
	[tilespmem:$0x880] =	vst v63  }
0x2c: {  	_ =	swait.ge [sflag:s4], $0x800  }
0x2d: {  	[sflag:s4] =	ssyncset.done $0x0  }
.LBB2_2:
0x2e: {  	[sflag:s4] =	ssyncadd.s32 $0xFFFFF800  }
0x2f: {  	_ =	sfence.sel $0x180000  }
0x30: {  	[bflag:$0x0] =	sbarrier.arrive $0xFFFF  }
0x31: {  	p0 =	sne.s32 s0, $0x0;
	_ =	strace $0x90000047  }
0x32: {  	s0 =	sadd.s32 @!p0 $0x100000, s2;
	[bflag:$0x2] =	sbarrier.arrive $0xFFFF  }
0x33: {  	[sflag:s0] =	ssyncadd.tile.s32 @!p0 $0x1;
	_ =	shalt  }
.Lfunc_end2:
_tile_overlayer_lowered:
.L_overlay_start_2:
0x34: {  	(tag) =	ssettag $0x2  }
0x35: {  	s0 =	rddreg [dreg:$0x0];
	s2 =	stileid.u32  }
0x36: {  	s1 =	rddreg [dreg:$0x1];
	p0 =	sne.s32 s2, $0x0  }
0x37: {  	s3 =	rddreg [dreg:$0x2];
	[bflag:$0x3] =	sbarrier.arrive $0xFFFF;
	s2 =	simm.s32 @!p0 $0x1C02  }
0x38: {  	[timem:s3], [sflag:s2] =	dma.local @!p0 [hbm:s0], s1  }
0x39: {  	s0 =	simm.s32 @!p0 $0x2  }
0x3a: {  	_ =	swait.ge @!p0 [sflag:s0], s1  }
0x3b: {  	s1 =	ssub.s32 @!p0 $0x0, s1;
	[sflag:s0] =	ssyncset.done @!p0 $0x0  }
0x3c: {  	[sflag:s0] =	ssyncadd.s32 @!p0 s1  }
0x3d: {  	[bflag:$0x3] =	sbarrier.arrive $0xFFFF  }
0x3e: {  	_ =	shalt  }

</sc_bundles>
